<compile_context>
chip_gen: v7x
topology: tpu7x:2x2x1
jax: 0.10.2.dev20260603
libtpu: 0.0.44.dev20260713+nightly
codegen_flags: <defaults>
</compile_context>

<pallas_src>
import functools

import jax
import jax.numpy as jnp
from jax import lax
from jax.experimental import pallas as pl
from jax.experimental.pallas import tpu as pltpu
from jax.experimental.pallas import tpu_sc as plsc

VOCAB_N = 100000
EMB_D = 128
BATCH_N = 4096

TB = 1024
TV = 2048
NB = BATCH_N // TB
NV = (VOCAB_N + TV - 1) // TV
VP = NV * TV
TV2 = 2048
NV2 = VP // TV2

NEG = -1e30
LOG2E = 1.4426950408889634
LN2 = 0.6931471805599453
LSE_CHUNKS = 8


def _sc_gather(table, idx):
    info = plsc.get_sparse_core_info()
    nc, ns = info.num_cores, info.num_subcores
    nw = nc * ns
    b_per_w = BATCH_N // nw

    @functools.partial(
        pl.kernel,
        mesh=plsc.VectorSubcoreMesh(core_axis_name="c", subcore_axis_name="s"),
        out_type=jax.ShapeDtypeStruct((BATCH_N, EMB_D), jnp.float32),
        scratch_types=[
            pltpu.VMEM((b_per_w,), jnp.int32),
            pltpu.VMEM((b_per_w, EMB_D), jnp.float32),
            pltpu.SemaphoreType.DMA,
        ],
    )
    def gather_kernel(table_hbm, idx_hbm, out_hbm, idx_v, rows_v, sem):
        wid = lax.axis_index("s") * nc + lax.axis_index("c")
        base = wid * b_per_w
        pltpu.sync_copy(idx_hbm.at[pl.ds(base, b_per_w)], idx_v)
        pltpu.async_copy(table_hbm.at[idx_v], rows_v, sem).wait()
        pltpu.sync_copy(rows_v, out_hbm.at[pl.ds(base, b_per_w)])

    return gather_kernel(table, idx)


def _lse_body(w_ref, e_ref, lse_ref, m_ref, s_ref):
    v = pl.program_id(0)

    @pl.when(v == 0)
    def _():
        m_ref[...] = jnp.full_like(m_ref[...], NEG)
        s_ref[...] = jnp.zeros_like(s_ref[...])

    CH = TV // LSE_CHUNKS
    stats = []
    for c in range(LSE_CHUNKS):
        lc = lax.dot_general(
            w_ref[pl.ds(c * CH, CH), :], e_ref[...],
            (((1,), (1,)), ((), ())),
            preferred_element_type=jnp.float32,
        )
        cm = jnp.max(lc, axis=0, keepdims=True)
        cs = jnp.sum(jnp.exp2(lc - cm), axis=0, keepdims=True)
        stats.append((cm, cs))

    m_old = m_ref[...]
    s_old = s_ref[...]
    m_new = m_old
    for cm, cs in stats:
        m_new = jnp.maximum(m_new, cm)
    s_new = s_old * jnp.exp2(m_old - m_new)
    for cm, cs in stats:
        s_new = s_new + cs * jnp.exp2(cm - m_new)
    m_ref[...] = m_new
    s_ref[...] = s_new

    @pl.when(v == NV - 1)
    def _():
        lse_ref[...] = m_new * LN2 + jnp.log(s_new)


def _out_body(w_ref, e_ref, b_ref, lse_ref, out_ref):
    logits = lax.dot_general(
        w_ref[...], e_ref[...], (((1,), (1,)), ((), ())),
        preferred_element_type=jnp.float32,
    )
    bcol = b_ref[...].T
    out_ref[...] = logits + (bcol - lse_ref[...])


def _tc_lse(e2, w_pad):
    return pl.pallas_call(
        _lse_body,
        grid=(NV,),
        in_specs=[
            pl.BlockSpec((TV, EMB_D), lambda v: (v, 0)),
            pl.BlockSpec((BATCH_N, EMB_D), lambda v: (0, 0)),
        ],
        out_specs=pl.BlockSpec((1, BATCH_N), lambda v: (0, 0)),
        out_shape=jax.ShapeDtypeStruct((1, BATCH_N), jnp.float32),
        scratch_shapes=[
            pltpu.VMEM((1, BATCH_N), jnp.float32),
            pltpu.VMEM((1, BATCH_N), jnp.float32),
        ],
        compiler_params=pltpu.CompilerParams(
            dimension_semantics=("arbitrary",),
        ),
    )(w_pad, e2)


def _tc_out(e, w_pad, b_row, lse):
    return pl.pallas_call(
        _out_body,
        grid=(NV2, NB),
        in_specs=[
            pl.BlockSpec((TV2, EMB_D), lambda v, b: (v, 0)),
            pl.BlockSpec((TB, EMB_D), lambda v, b: (b, 0)),
            pl.BlockSpec((1, TV2), lambda v, b: (0, v)),
            pl.BlockSpec((1, TB), lambda v, b: (0, b)),
        ],
        out_specs=pl.BlockSpec((TV2, TB), lambda v, b: (v, b)),
        out_shape=jax.ShapeDtypeStruct((VOCAB_N, BATCH_N), jnp.float32),
        compiler_params=pltpu.CompilerParams(
            dimension_semantics=("arbitrary", "arbitrary"),
        ),
    )(w_pad, e, b_row, lse)


def kernel(inputs, table, W, b):
    embeds = _sc_gather(table, inputs)
    e = embeds.astype(jnp.bfloat16)
    e2 = (embeds * LOG2E).astype(jnp.bfloat16)
    w_pad = jnp.zeros((VP, EMB_D), jnp.bfloat16).at[:VOCAB_N].set(
        W.astype(jnp.bfloat16))
    b_row = jnp.pad(b, (0, VP - VOCAB_N))[None, :]
    lse = _tc_lse(e2, w_pad)
    out_t = _tc_out(e, w_pad, b_row, lse)
    return out_t.T

# --- scband reference (transcript-rebuilt; emitter-appended) ---
"""Pipeline reference for scband-skip-gram-language-modeler-66090956751165 (READ-ONLY COPY).

The authoritative reference and input builder live on the scoring server;
editing this copy changes nothing except your own understanding.
"""

import jax, jax.numpy as jnp
import numpy as np

VOCAB = 100000
EMBED = 128
BATCH = 4096

def setup_inputs(seed: int = 0) -> dict:
    key = jax.random.key(seed)
    k_idx, k_tab, k_w, k_b = jax.random.split(key, 4)
    inputs = jax.random.randint(k_idx, (BATCH,), 0, VOCAB, dtype=jnp.int64 if jax.config.jax_enable_x64 else jnp.int32).astype(jnp.int32)
    table = jax.random.normal(k_tab, (VOCAB, EMBED), dtype=jnp.float32)
    W = jax.random.normal(k_w, (VOCAB, EMBED), dtype=jnp.float32) * (1.0 / np.sqrt(EMBED))
    b = jax.random.normal(k_b, (VOCAB,), dtype=jnp.float32) * 0.01
    return {"inputs": inputs, "table": table, "W": W, "b": b}

def reference(inputs, table, W, b):
    # embeds = self.embeddings(inputs)
    embeds = jnp.take(table, inputs, axis=0)            # [B, EMBED]
    # out = self.linear1(embeds)  (torch Linear: x @ W.T + b)
    out = embeds @ W.T + b                              # [B, VOCAB]
    # log_probs = F.log_softmax(out)  (over last/class dim for 2D input)
    log_probs = jax.nn.log_softmax(out, axis=-1)
    return log_probs

if __name__ == "__main__":
    import jax
    _d = setup_inputs()
    print(jax.jit(kernel)(*tuple(_d.values())))

</pallas_src>

<mosaic_0001>
#map = affine_map<(d0, d1) -> (0, 0)>
#map1 = affine_map<(d0, d1) -> (0)>
module attributes {stable_mosaic.version = 14 : i64} {
  func.func @gather_kernel(%arg0: i32, %arg1: i32, %arg2: memref<100000x128xf32, #tpu.memory_space<hbm>>, %arg3: memref<4096xi32, #tpu.memory_space<hbm>>, %arg4: memref<4096x128xf32, #tpu.memory_space<hbm>>, %arg5: memref<128xi32, #tpu.memory_space<vmem>>, %arg6: memref<128x128xf32, #tpu.memory_space<vmem>>, %arg7: memref<!tpu.dma_semaphore, #tpu.memory_space<semaphore_mem>>) attributes {dimension_semantics = [#tpu.dimension_semantics<core_parallel>, #tpu.dimension_semantics<subcore_parallel>], iteration_bounds = array<i64: 2, 16>, scalar_prefetch = 0 : i64, scratch_operands = 3 : i64, tpu.core_type = #tpu.core_type<sc_vector_subcore>, window_params = [{transform_indices = #map}, {transform_indices = #map1}, {transform_indices = #map}]} {
    %mul3A = arith.constant 2 : i32
    %mul3A_0 = arith.muli %arg1, %mul3A : i32
    %add3A = arith.addi %mul3A_0, %arg0 : i32
    %mul3A_1 = arith.constant 128 : i32
    %mul3A_2 = arith.muli %add3A, %mul3A_1 : i32
    "tpu.region"() ({
      %run_scoped3A = tpu.sem_alloc : memref<!tpu.dma_semaphore, #tpu.memory_space<semaphore_mem>>
      %dma_start3A_7 = tpu.memref_slice %arg3[%mul3A_2] : memref<4096xi32, #tpu.memory_space<hbm>> -> memref<128xi32, #tpu.memory_space<hbm>>
      %dma_start3A_8 = tpu.memref_slice %arg3[%mul3A_2] : memref<4096xi32, #tpu.memory_space<hbm>> -> memref<128xi32, #tpu.memory_space<hbm>>
      tpu.enqueue_dma source(%dma_start3A_8 : memref<128xi32, #tpu.memory_space<hbm>>) target(%arg5 : memref<128xi32, #tpu.memory_space<vmem>>) target_semaphore(%run_scoped3A : memref<!tpu.dma_semaphore, #tpu.memory_space<semaphore_mem>>)
      %dma_wait3A_9 = tpu.memref_slice %arg3[%mul3A_2] : memref<4096xi32, #tpu.memory_space<hbm>> -> memref<128xi32, #tpu.memory_space<hbm>>
      %dma_wait3A_10 = tpu.memref_slice %arg3[%mul3A_2] : memref<4096xi32, #tpu.memory_space<hbm>> -> memref<128xi32, #tpu.memory_space<hbm>>
      tpu.wait_dma2 semaphore(%run_scoped3A : memref<!tpu.dma_semaphore, #tpu.memory_space<semaphore_mem>>) src(%dma_wait3A_10 : memref<128xi32, #tpu.memory_space<hbm>>) dst(%arg5 : memref<128xi32, #tpu.memory_space<vmem>>)
      tpu.yield
    }) : () -> ()
    %dma_start3A = arith.constant 0 : i32
    %dma_start3A_3 = arith.constant 0 : i32
    %dma_start3A_4 = tpu.memref_slice %arg2[%dma_start3A, %dma_start3A_3] : memref<100000x128xf32, #tpu.memory_space<hbm>> -> memref<100000x128xf32, #tpu.memory_space<hbm>>
    tpu.enqueue_indirect_dma source(%dma_start3A_4 : memref<100000x128xf32, #tpu.memory_space<hbm>>) target(%arg6 : memref<128x128xf32, #tpu.memory_space<vmem>>) offsets(%arg5 : memref<128xi32, #tpu.memory_space<vmem>>) semaphore(%arg7 : memref<!tpu.dma_semaphore, #tpu.memory_space<semaphore_mem>>)
    %dma_wait3A = arith.constant 0 : i32
    %dma_wait3A_5 = arith.constant 0 : i32
    %dma_wait3A_6 = tpu.memref_slice %arg2[%dma_wait3A, %dma_wait3A_5] : memref<100000x128xf32, #tpu.memory_space<hbm>> -> memref<100000x128xf32, #tpu.memory_space<hbm>>
    tpu.wait_indirect_dma semaphore(%arg7 : memref<!tpu.dma_semaphore, #tpu.memory_space<semaphore_mem>>) src(%dma_wait3A_6 : memref<100000x128xf32, #tpu.memory_space<hbm>>) dst(%arg6 : memref<128x128xf32, #tpu.memory_space<vmem>>)
    "tpu.region"() ({
      %run_scoped3A = tpu.sem_alloc : memref<!tpu.dma_semaphore, #tpu.memory_space<semaphore_mem>>
      %dma_start3A_7 = arith.constant 0 : i32
      %dma_start3A_8 = tpu.memref_slice %arg4[%mul3A_2, %dma_start3A_7] : memref<4096x128xf32, #tpu.memory_space<hbm>> -> memref<128x128xf32, #tpu.memory_space<hbm>>
      %dma_start3A_9 = arith.constant 0 : i32
      %dma_start3A_10 = tpu.memref_slice %arg4[%mul3A_2, %dma_start3A_9] : memref<4096x128xf32, #tpu.memory_space<hbm>> -> memref<128x128xf32, #tpu.memory_space<hbm>>
      tpu.enqueue_dma source(%arg6 : memref<128x128xf32, #tpu.memory_space<vmem>>) target(%dma_start3A_10 : memref<128x128xf32, #tpu.memory_space<hbm>>) target_semaphore(%run_scoped3A : memref<!tpu.dma_semaphore, #tpu.memory_space<semaphore_mem>>)
      %dma_wait3A_11 = arith.constant 0 : i32
      %dma_wait3A_12 = tpu.memref_slice %arg4[%mul3A_2, %dma_wait3A_11] : memref<4096x128xf32, #tpu.memory_space<hbm>> -> memref<128x128xf32, #tpu.memory_space<hbm>>
      %dma_wait3A_13 = arith.constant 0 : i32
      %dma_wait3A_14 = tpu.memref_slice %arg4[%mul3A_2, %dma_wait3A_13] : memref<4096x128xf32, #tpu.memory_space<hbm>> -> memref<128x128xf32, #tpu.memory_space<hbm>>
      tpu.wait_dma2 semaphore(%run_scoped3A : memref<!tpu.dma_semaphore, #tpu.memory_space<semaphore_mem>>) src(%arg6 : memref<128x128xf32, #tpu.memory_space<vmem>>) dst(%dma_wait3A_14 : memref<128x128xf32, #tpu.memory_space<hbm>>)
      tpu.yield
    }) : () -> ()
    return
  }
}

module attributes {stable_mosaic.version = 14 : i64} {
  func.func @_lse_body(%arg0: i32, %arg1: memref<2048x128xbf16, #tpu.memory_space<vmem>>, %arg2: memref<4096x128xbf16, #tpu.memory_space<vmem>>, %arg3: memref<1x4096xf32, #tpu.memory_space<vmem>>, %arg4: memref<1x4096xf32, #tpu.memory_space<vmem>>, %arg5: memref<1x4096xf32, #tpu.memory_space<vmem>>) attributes {dimension_semantics = [#tpu.dimension_semantics<arbitrary>], iteration_bounds = array<i64: 49>, scalar_prefetch = 0 : i64, scratch_operands = 2 : i64, tpu.core_type = #tpu.core_type<tc>, window_params = [{transform_indices = @transform_0, window_bounds = array<i64: 2048, 128>}, {pipeline_mode = #tpu.pipeline_mode<synchronous>, transform_indices = @transform_1, window_bounds = array<i64: 4096, 128>}, {pipeline_mode = #tpu.pipeline_mode<synchronous>, transform_indices = @transform_2, window_bounds = array<i64: 1, 4096>}]} {
    %eq3A = arith.constant 0 : i32
    %eq3A_0 = arith.cmpi eq, %arg0, %eq3A : i32
    %convert_element_type3A = arith.extui %eq3A_0 : i1 to i32
    %cond3A = arith.constant 0 : i32
    %cond3A_1 = arith.cmpi ne, %convert_element_type3A, %cond3A : i32
    scf.if %cond3A_1 {
      %broadcast_in_dim3A_187 = arith.constant -1.000000e+30 : f32
      %broadcast_in_dim3A_188 = vector.broadcast %broadcast_in_dim3A_187 : f32 to vector<1x4096xf32>
      %swap3A_189 = arith.constant 0 : index
      %swap3A_190 = arith.constant 0 : index
      %swap3A_191 = vector.load %arg4[%swap3A_189, %swap3A_190] : memref<1x4096xf32, #tpu.memory_space<vmem>>, vector<1x4096xf32>
      tpu.vector_store %arg4[%swap3A_189, %swap3A_190], %broadcast_in_dim3A_188 {strides = array<i32>} : memref<1x4096xf32, #tpu.memory_space<vmem>>, vector<1x4096xf32>,
      %broadcast_in_dim3A_192 = arith.constant 0.000000e+00 : f32
      %broadcast_in_dim3A_193 = vector.broadcast %broadcast_in_dim3A_192 : f32 to vector<1x4096xf32>
      %swap3A_194 = arith.constant 0 : index
      %swap3A_195 = arith.constant 0 : index
      %swap3A_196 = vector.load %arg5[%swap3A_194, %swap3A_195] : memref<1x4096xf32, #tpu.memory_space<vmem>>, vector<1x4096xf32>
      tpu.vector_store %arg5[%swap3A_194, %swap3A_195], %broadcast_in_dim3A_193 {strides = array<i32>} : memref<1x4096xf32, #tpu.memory_space<vmem>>, vector<1x4096xf32>,
    } else {
    }
    %get3A = arith.constant 0 : index
    %get3A_2 = arith.constant 0 : index
    %get3A_3 = vector.load %arg1[%get3A, %get3A_2] : memref<2048x128xbf16, #tpu.memory_space<vmem>>, vector<256x128xbf16>
    %get3A_4 = arith.constant 0 : index
    %get3A_5 = arith.constant 0 : index
    %get3A_6 = vector.load %arg2[%get3A_4, %get3A_5] : memref<4096x128xbf16, #tpu.memory_space<vmem>>, vector<4096x128xbf16>
    %dot_general3A = arith.constant dense<0.000000e+00> : vector<256x4096xf32>
    %dot_general3A_7 = tpu.matmul %get3A_3, %get3A_6, %dot_general3A {dimension_numbers = #tpu.dot_dimension_numbers<[1], [1], [0], [0], [0, 0, 1, 0], [], []>, transpose_lhs_hint = false} : vector<256x128xbf16>, vector<4096x128xbf16>, vector<256x4096xf32> -> vector<256x4096xf32>
    %reduce_max3A = arith.constant dense<0xFF800000> : vector<4096xf32>
    %reduce_max3A_8 = vector.multi_reduction <maximumf>, %dot_general3A_7, %reduce_max3A [0] : vector<256x4096xf32> to vector<4096xf32>
    %broadcast_in_dim3A = vector.shape_cast %reduce_max3A_8 : vector<4096xf32> to vector<1x4096xf32>
    %sub3A = vector.broadcast %broadcast_in_dim3A : vector<1x4096xf32> to vector<256x4096xf32>
    %sub3A_9 = arith.subf %dot_general3A_7, %sub3A : vector<256x4096xf32>
    %exp23A = math.exp2 %sub3A_9 : vector<256x4096xf32>
    %reduce_sum3A = arith.constant dense<0.000000e+00> : vector<4096xf32>
    %reduce_sum3A_10 = vector.multi_reduction <add>, %exp23A, %reduce_sum3A [0] : vector<256x4096xf32> to vector<4096xf32>
    %broadcast_in_dim3A_11 = vector.shape_cast %reduce_sum3A_10 : vector<4096xf32> to vector<1x4096xf32>
    %get3A_12 = arith.constant 256 : index
    %get3A_13 = arith.constant 0 : index
    %get3A_14 = vector.load %arg1[%get3A_12, %get3A_13] : memref<2048x128xbf16, #tpu.memory_space<vmem>>, vector<256x128xbf16>
    %get3A_15 = arith.constant 0 : index
    %get3A_16 = arith.constant 0 : index
    %get3A_17 = vector.load %arg2[%get3A_15, %get3A_16] : memref<4096x128xbf16, #tpu.memory_space<vmem>>, vector<4096x128xbf16>
    %dot_general3A_18 = arith.constant dense<0.000000e+00> : vector<256x4096xf32>
    %dot_general3A_19 = tpu.matmul %get3A_14, %get3A_17, %dot_general3A_18 {dimension_numbers = #tpu.dot_dimension_numbers<[1], [1], [0], [0], [0, 0, 1, 0], [], []>, transpose_lhs_hint = false} : vector<256x128xbf16>, vector<4096x128xbf16>, vector<256x4096xf32> -> vector<256x4096xf32>
    %reduce_max3A_20 = arith.constant dense<0xFF800000> : vector<4096xf32>
    %reduce_max3A_21 = vector.multi_reduction <maximumf>, %dot_general3A_19, %reduce_max3A_20 [0] : vector<256x4096xf32> to vector<4096xf32>
    %broadcast_in_dim3A_22 = vector.shape_cast %reduce_max3A_21 : vector<4096xf32> to vector<1x4096xf32>
    %sub3A_23 = vector.broadcast %broadcast_in_dim3A_22 : vector<1x4096xf32> to vector<256x4096xf32>
    %sub3A_24 = arith.subf %dot_general3A_19, %sub3A_23 : vector<256x4096xf32>
    %exp23A_25 = math.exp2 %sub3A_24 : vector<256x4096xf32>
    %reduce_sum3A_26 = arith.constant dense<0.000000e+00> : vector<4096xf32>
    %reduce_sum3A_27 = vector.multi_reduction <add>, %exp23A_25, %reduce_sum3A_26 [0] : vector<256x4096xf32> to vector<4096xf32>
    %broadcast_in_dim3A_28 = vector.shape_cast %reduce_sum3A_27 : vector<4096xf32> to vector<1x4096xf32>
    %get3A_29 = arith.constant 512 : index
    %get3A_30 = arith.constant 0 : index
    %get3A_31 = vector.load %arg1[%get3A_29, %get3A_30] : memref<2048x128xbf16, #tpu.memory_space<vmem>>, vector<256x128xbf16>
    %get3A_32 = arith.constant 0 : index
    %get3A_33 = arith.constant 0 : index
    %get3A_34 = vector.load %arg2[%get3A_32, %get3A_33] : memref<4096x128xbf16, #tpu.memory_space<vmem>>, vector<4096x128xbf16>
    %dot_general3A_35 = arith.constant dense<0.000000e+00> : vector<256x4096xf32>
    %dot_general3A_36 = tpu.matmul %get3A_31, %get3A_34, %dot_general3A_35 {dimension_numbers = #tpu.dot_dimension_numbers<[1], [1], [0], [0], [0, 0, 1, 0], [], []>, transpose_lhs_hint = false} : vector<256x128xbf16>, vector<4096x128xbf16>, vector<256x4096xf32> -> vector<256x4096xf32>
    %reduce_max3A_37 = arith.constant dense<0xFF800000> : vector<4096xf32>
    %reduce_max3A_38 = vector.multi_reduction <maximumf>, %dot_general3A_36, %reduce_max3A_37 [0] : vector<256x4096xf32> to vector<4096xf32>
    %broadcast_in_dim3A_39 = vector.shape_cast %reduce_max3A_38 : vector<4096xf32> to vector<1x4096xf32>
    %sub3A_40 = vector.broadcast %broadcast_in_dim3A_39 : vector<1x4096xf32> to vector<256x4096xf32>
    %sub3A_41 = arith.subf %dot_general3A_36, %sub3A_40 : vector<256x4096xf32>
    %exp23A_42 = math.exp2 %sub3A_41 : vector<256x4096xf32>
    %reduce_sum3A_43 = arith.constant dense<0.000000e+00> : vector<4096xf32>
    %reduce_sum3A_44 = vector.multi_reduction <add>, %exp23A_42, %reduce_sum3A_43 [0] : vector<256x4096xf32> to vector<4096xf32>
    %broadcast_in_dim3A_45 = vector.shape_cast %reduce_sum3A_44 : vector<4096xf32> to vector<1x4096xf32>
    %get3A_46 = arith.constant 768 : index
    %get3A_47 = arith.constant 0 : index
    %get3A_48 = vector.load %arg1[%get3A_46, %get3A_47] : memref<2048x128xbf16, #tpu.memory_space<vmem>>, vector<256x128xbf16>
    %get3A_49 = arith.constant 0 : index
    %get3A_50 = arith.constant 0 : index
    %get3A_51 = vector.load %arg2[%get3A_49, %get3A_50] : memref<4096x128xbf16, #tpu.memory_space<vmem>>, vector<4096x128xbf16>
    %dot_general3A_52 = arith.constant dense<0.000000e+00> : vector<256x4096xf32>
    %dot_general3A_53 = tpu.matmul %get3A_48, %get3A_51, %dot_general3A_52 {dimension_numbers = #tpu.dot_dimension_numbers<[1], [1], [0], [0], [0, 0, 1, 0], [], []>, transpose_lhs_hint = false} : vector<256x128xbf16>, vector<4096x128xbf16>, vector<256x4096xf32> -> vector<256x4096xf32>
    %reduce_max3A_54 = arith.constant dense<0xFF800000> : vector<4096xf32>
    %reduce_max3A_55 = vector.multi_reduction <maximumf>, %dot_general3A_53, %reduce_max3A_54 [0] : vector<256x4096xf32> to vector<4096xf32>
    %broadcast_in_dim3A_56 = vector.shape_cast %reduce_max3A_55 : vector<4096xf32> to vector<1x4096xf32>
    %sub3A_57 = vector.broadcast %broadcast_in_dim3A_56 : vector<1x4096xf32> to vector<256x4096xf32>
    %sub3A_58 = arith.subf %dot_general3A_53, %sub3A_57 : vector<256x4096xf32>
    %exp23A_59 = math.exp2 %sub3A_58 : vector<256x4096xf32>
    %reduce_sum3A_60 = arith.constant dense<0.000000e+00> : vector<4096xf32>
    %reduce_sum3A_61 = vector.multi_reduction <add>, %exp23A_59, %reduce_sum3A_60 [0] : vector<256x4096xf32> to vector<4096xf32>
    %broadcast_in_dim3A_62 = vector.shape_cast %reduce_sum3A_61 : vector<4096xf32> to vector<1x4096xf32>
    %get3A_63 = arith.constant 1024 : index
    %get3A_64 = arith.constant 0 : index
    %get3A_65 = vector.load %arg1[%get3A_63, %get3A_64] : memref<2048x128xbf16, #tpu.memory_space<vmem>>, vector<256x128xbf16>
    %get3A_66 = arith.constant 0 : index
    %get3A_67 = arith.constant 0 : index
    %get3A_68 = vector.load %arg2[%get3A_66, %get3A_67] : memref<4096x128xbf16, #tpu.memory_space<vmem>>, vector<4096x128xbf16>
    %dot_general3A_69 = arith.constant dense<0.000000e+00> : vector<256x4096xf32>
    %dot_general3A_70 = tpu.matmul %get3A_65, %get3A_68, %dot_general3A_69 {dimension_numbers = #tpu.dot_dimension_numbers<[1], [1], [0], [0], [0, 0, 1, 0], [], []>, transpose_lhs_hint = false} : vector<256x128xbf16>, vector<4096x128xbf16>, vector<256x4096xf32> -> vector<256x4096xf32>
    %reduce_max3A_71 = arith.constant dense<0xFF800000> : vector<4096xf32>
    %reduce_max3A_72 = vector.multi_reduction <maximumf>, %dot_general3A_70, %reduce_max3A_71 [0] : vector<256x4096xf32> to vector<4096xf32>
    %broadcast_in_dim3A_73 = vector.shape_cast %reduce_max3A_72 : vector<4096xf32> to vector<1x4096xf32>
    %sub3A_74 = vector.broadcast %broadcast_in_dim3A_73 : vector<1x4096xf32> to vector<256x4096xf32>
    %sub3A_75 = arith.subf %dot_general3A_70, %sub3A_74 : vector<256x4096xf32>
    %exp23A_76 = math.exp2 %sub3A_75 : vector<256x4096xf32>
    %reduce_sum3A_77 = arith.constant dense<0.000000e+00> : vector<4096xf32>
    %reduce_sum3A_78 = vector.multi_reduction <add>, %exp23A_76, %reduce_sum3A_77 [0] : vector<256x4096xf32> to vector<4096xf32>
    %broadcast_in_dim3A_79 = vector.shape_cast %reduce_sum3A_78 : vector<4096xf32> to vector<1x4096xf32>
    %get3A_80 = arith.constant 1280 : index
    %get3A_81 = arith.constant 0 : index
    %get3A_82 = vector.load %arg1[%get3A_80, %get3A_81] : memref<2048x128xbf16, #tpu.memory_space<vmem>>, vector<256x128xbf16>
    %get3A_83 = arith.constant 0 : index
    %get3A_84 = arith.constant 0 : index
    %get3A_85 = vector.load %arg2[%get3A_83, %get3A_84] : memref<4096x128xbf16, #tpu.memory_space<vmem>>, vector<4096x128xbf16>
    %dot_general3A_86 = arith.constant dense<0.000000e+00> : vector<256x4096xf32>
    %dot_general3A_87 = tpu.matmul %get3A_82, %get3A_85, %dot_general3A_86 {dimension_numbers = #tpu.dot_dimension_numbers<[1], [1], [0], [0], [0, 0, 1, 0], [], []>, transpose_lhs_hint = false} : vector<256x128xbf16>, vector<4096x128xbf16>, vector<256x4096xf32> -> vector<256x4096xf32>
    %reduce_max3A_88 = arith.constant dense<0xFF800000> : vector<4096xf32>
    %reduce_max3A_89 = vector.multi_reduction <maximumf>, %dot_general3A_87, %reduce_max3A_88 [0] : vector<256x4096xf32> to vector<4096xf32>
    %broadcast_in_dim3A_90 = vector.shape_cast %reduce_max3A_89 : vector<4096xf32> to vector<1x4096xf32>
    %sub3A_91 = vector.broadcast %broadcast_in_dim3A_90 : vector<1x4096xf32> to vector<256x4096xf32>
    %sub3A_92 = arith.subf %dot_general3A_87, %sub3A_91 : vector<256x4096xf32>
    %exp23A_93 = math.exp2 %sub3A_92 : vector<256x4096xf32>
    %reduce_sum3A_94 = arith.constant dense<0.000000e+00> : vector<4096xf32>
    %reduce_sum3A_95 = vector.multi_reduction <add>, %exp23A_93, %reduce_sum3A_94 [0] : vector<256x4096xf32> to vector<4096xf32>
    %broadcast_in_dim3A_96 = vector.shape_cast %reduce_sum3A_95 : vector<4096xf32> to vector<1x4096xf32>
    %get3A_97 = arith.constant 1536 : index
    %get3A_98 = arith.constant 0 : index
    %get3A_99 = vector.load %arg1[%get3A_97, %get3A_98] : memref<2048x128xbf16, #tpu.memory_space<vmem>>, vector<256x128xbf16>
    %get3A_100 = arith.constant 0 : index
    %get3A_101 = arith.constant 0 : index
    %get3A_102 = vector.load %arg2[%get3A_100, %get3A_101] : memref<4096x128xbf16, #tpu.memory_space<vmem>>, vector<4096x128xbf16>
    %dot_general3A_103 = arith.constant dense<0.000000e+00> : vector<256x4096xf32>
    %dot_general3A_104 = tpu.matmul %get3A_99, %get3A_102, %dot_general3A_103 {dimension_numbers = #tpu.dot_dimension_numbers<[1], [1], [0], [0], [0, 0, 1, 0], [], []>, transpose_lhs_hint = false} : vector<256x128xbf16>, vector<4096x128xbf16>, vector<256x4096xf32> -> vector<256x4096xf32>
    %reduce_max3A_105 = arith.constant dense<0xFF800000> : vector<4096xf32>
    %reduce_max3A_106 = vector.multi_reduction <maximumf>, %dot_general3A_104, %reduce_max3A_105 [0] : vector<256x4096xf32> to vector<4096xf32>
    %broadcast_in_dim3A_107 = vector.shape_cast %reduce_max3A_106 : vector<4096xf32> to vector<1x4096xf32>
    %sub3A_108 = vector.broadcast %broadcast_in_dim3A_107 : vector<1x4096xf32> to vector<256x4096xf32>
    %sub3A_109 = arith.subf %dot_general3A_104, %sub3A_108 : vector<256x4096xf32>
    %exp23A_110 = math.exp2 %sub3A_109 : vector<256x4096xf32>
    %reduce_sum3A_111 = arith.constant dense<0.000000e+00> : vector<4096xf32>
    %reduce_sum3A_112 = vector.multi_reduction <add>, %exp23A_110, %reduce_sum3A_111 [0] : vector<256x4096xf32> to vector<4096xf32>
    %broadcast_in_dim3A_113 = vector.shape_cast %reduce_sum3A_112 : vector<4096xf32> to vector<1x4096xf32>
    %get3A_114 = arith.constant 1792 : index
    %get3A_115 = arith.constant 0 : index
    %get3A_116 = vector.load %arg1[%get3A_114, %get3A_115] : memref<2048x128xbf16, #tpu.memory_space<vmem>>, vector<256x128xbf16>
    %get3A_117 = arith.constant 0 : index
    %get3A_118 = arith.constant 0 : index
    %get3A_119 = vector.load %arg2[%get3A_117, %get3A_118] : memref<4096x128xbf16, #tpu.memory_space<vmem>>, vector<4096x128xbf16>
    %dot_general3A_120 = arith.constant dense<0.000000e+00> : vector<256x4096xf32>
    %dot_general3A_121 = tpu.matmul %get3A_116, %get3A_119, %dot_general3A_120 {dimension_numbers = #tpu.dot_dimension_numbers<[1], [1], [0], [0], [0, 0, 1, 0], [], []>, transpose_lhs_hint = false} : vector<256x128xbf16>, vector<4096x128xbf16>, vector<256x4096xf32> -> vector<256x4096xf32>
    %reduce_max3A_122 = arith.constant dense<0xFF800000> : vector<4096xf32>
    %reduce_max3A_123 = vector.multi_reduction <maximumf>, %dot_general3A_121, %reduce_max3A_122 [0] : vector<256x4096xf32> to vector<4096xf32>
    %broadcast_in_dim3A_124 = vector.shape_cast %reduce_max3A_123 : vector<4096xf32> to vector<1x4096xf32>
    %sub3A_125 = vector.broadcast %broadcast_in_dim3A_124 : vector<1x4096xf32> to vector<256x4096xf32>
    %sub3A_126 = arith.subf %dot_general3A_121, %sub3A_125 : vector<256x4096xf32>
    %exp23A_127 = math.exp2 %sub3A_126 : vector<256x4096xf32>
    %reduce_sum3A_128 = arith.constant dense<0.000000e+00> : vector<4096xf32>
    %reduce_sum3A_129 = vector.multi_reduction <add>, %exp23A_127, %reduce_sum3A_128 [0] : vector<256x4096xf32> to vector<4096xf32>
    %broadcast_in_dim3A_130 = vector.shape_cast %reduce_sum3A_129 : vector<4096xf32> to vector<1x4096xf32>
    %get3A_131 = arith.constant 0 : index
    %get3A_132 = arith.constant 0 : index
    %get3A_133 = vector.load %arg4[%get3A_131, %get3A_132] : memref<1x4096xf32, #tpu.memory_space<vmem>>, vector<1x4096xf32>
    %get3A_134 = arith.constant 0 : index
    %get3A_135 = arith.constant 0 : index
    %get3A_136 = vector.load %arg5[%get3A_134, %get3A_135] : memref<1x4096xf32, #tpu.memory_space<vmem>>, vector<1x4096xf32>
    %max3A = arith.maximumf %get3A_133, %broadcast_in_dim3A : vector<1x4096xf32>
    %max3A_137 = arith.maximumf %max3A, %broadcast_in_dim3A_22 : vector<1x4096xf32>
    %max3A_138 = arith.maximumf %max3A_137, %broadcast_in_dim3A_39 : vector<1x4096xf32>
    %max3A_139 = arith.maximumf %max3A_138, %broadcast_in_dim3A_56 : vector<1x4096xf32>
    %max3A_140 = arith.maximumf %max3A_139, %broadcast_in_dim3A_73 : vector<1x4096xf32>
    %max3A_141 = arith.maximumf %max3A_140, %broadcast_in_dim3A_90 : vector<1x4096xf32>
    %max3A_142 = arith.maximumf %max3A_141, %broadcast_in_dim3A_107 : vector<1x4096xf32>
    %max3A_143 = arith.maximumf %max3A_142, %broadcast_in_dim3A_124 : vector<1x4096xf32>
    %sub3A_144 = arith.subf %get3A_133, %max3A_143 : vector<1x4096xf32>
    %exp23A_145 = math.exp2 %sub3A_144 : vector<1x4096xf32>
    %mul3A = arith.mulf %get3A_136, %exp23A_145 : vector<1x4096xf32>
    %sub3A_146 = arith.subf %broadcast_in_dim3A, %max3A_143 : vector<1x4096xf32>
    %exp23A_147 = math.exp2 %sub3A_146 : vector<1x4096xf32>
    %mul3A_148 = arith.mulf %broadcast_in_dim3A_11, %exp23A_147 : vector<1x4096xf32>
    %add3A = arith.addf %mul3A, %mul3A_148 : vector<1x4096xf32>
    %sub3A_149 = arith.subf %broadcast_in_dim3A_22, %max3A_143 : vector<1x4096xf32>
    %exp23A_150 = math.exp2 %sub3A_149 : vector<1x4096xf32>
    %mul3A_151 = arith.mulf %broadcast_in_dim3A_28, %exp23A_150 : vector<1x4096xf32>
    %add3A_152 = arith.addf %add3A, %mul3A_151 : vector<1x4096xf32>
    %sub3A_153 = arith.subf %broadcast_in_dim3A_39, %max3A_143 : vector<1x4096xf32>
    %exp23A_154 = math.exp2 %sub3A_153 : vector<1x4096xf32>
    %mul3A_155 = arith.mulf %broadcast_in_dim3A_45, %exp23A_154 : vector<1x4096xf32>
    %add3A_156 = arith.addf %add3A_152, %mul3A_155 : vector<1x4096xf32>
    %sub3A_157 = arith.subf %broadcast_in_dim3A_56, %max3A_143 : vector<1x4096xf32>
    %exp23A_158 = math.exp2 %sub3A_157 : vector<1x4096xf32>
    %mul3A_159 = arith.mulf %broadcast_in_dim3A_62, %exp23A_158 : vector<1x4096xf32>
    %add3A_160 = arith.addf %add3A_156, %mul3A_159 : vector<1x4096xf32>
    %sub3A_161 = arith.subf %broadcast_in_dim3A_73, %max3A_143 : vector<1x4096xf32>
    %exp23A_162 = math.exp2 %sub3A_161 : vector<1x4096xf32>
    %mul3A_163 = arith.mulf %broadcast_in_dim3A_79, %exp23A_162 : vector<1x4096xf32>
    %add3A_164 = arith.addf %add3A_160, %mul3A_163 : vector<1x4096xf32>
    %sub3A_165 = arith.subf %broadcast_in_dim3A_90, %max3A_143 : vector<1x4096xf32>
    %exp23A_166 = math.exp2 %sub3A_165 : vector<1x4096xf32>
    %mul3A_167 = arith.mulf %broadcast_in_dim3A_96, %exp23A_166 : vector<1x4096xf32>
    %add3A_168 = arith.addf %add3A_164, %mul3A_167 : vector<1x4096xf32>
    %sub3A_169 = arith.subf %broadcast_in_dim3A_107, %max3A_143 : vector<1x4096xf32>
    %exp23A_170 = math.exp2 %sub3A_169 : vector<1x4096xf32>
    %mul3A_171 = arith.mulf %broadcast_in_dim3A_113, %exp23A_170 : vector<1x4096xf32>
    %add3A_172 = arith.addf %add3A_168, %mul3A_171 : vector<1x4096xf32>
    %sub3A_173 = arith.subf %broadcast_in_dim3A_124, %max3A_143 : vector<1x4096xf32>
    %exp23A_174 = math.exp2 %sub3A_173 : vector<1x4096xf32>
    %mul3A_175 = arith.mulf %broadcast_in_dim3A_130, %exp23A_174 : vector<1x4096xf32>
    %add3A_176 = arith.addf %add3A_172, %mul3A_175 : vector<1x4096xf32>
    %swap3A = arith.constant 0 : index
    %swap3A_177 = arith.constant 0 : index
    %swap3A_178 = vector.load %arg4[%swap3A, %swap3A_177] : memref<1x4096xf32, #tpu.memory_space<vmem>>, vector<1x4096xf32>
    tpu.vector_store %arg4[%swap3A, %swap3A_177], %max3A_143 {strides = array<i32>} : memref<1x4096xf32, #tpu.memory_space<vmem>>, vector<1x4096xf32>,
    %swap3A_179 = arith.constant 0 : index
    %swap3A_180 = arith.constant 0 : index
    %swap3A_181 = vector.load %arg5[%swap3A_179, %swap3A_180] : memref<1x4096xf32, #tpu.memory_space<vmem>>, vector<1x4096xf32>
    tpu.vector_store %arg5[%swap3A_179, %swap3A_180], %add3A_176 {strides = array<i32>} : memref<1x4096xf32, #tpu.memory_space<vmem>>, vector<1x4096xf32>,
    %eq3A_182 = arith.constant 48 : i32
    %eq3A_183 = arith.cmpi eq, %arg0, %eq3A_182 : i32
    %convert_element_type3A_184 = arith.extui %eq3A_183 : i1 to i32
    %cond3A_185 = arith.constant 0 : i32
    %cond3A_186 = arith.cmpi ne, %convert_element_type3A_184, %cond3A_185 : i32
    scf.if %cond3A_186 {
      %mul3A_187 = arith.constant 0.693147182 : f32
      %mul3A_188 = vector.broadcast %mul3A_187 : f32 to vector<1x4096xf32>
      %mul3A_189 = arith.mulf %max3A_143, %mul3A_188 : vector<1x4096xf32>
      %log3A = math.log %add3A_176 : vector<1x4096xf32>
      %add3A_190 = arith.addf %mul3A_189, %log3A : vector<1x4096xf32>
      %swap3A_191 = arith.constant 0 : index
      %swap3A_192 = arith.constant 0 : index
      %swap3A_193 = vector.load %arg3[%swap3A_191, %swap3A_192] : memref<1x4096xf32, #tpu.memory_space<vmem>>, vector<1x4096xf32>
      tpu.vector_store %arg3[%swap3A_191, %swap3A_192], %add3A_190 {strides = array<i32>} : memref<1x4096xf32, #tpu.memory_space<vmem>>, vector<1x4096xf32>,
    } else {
    }
    return
  }
  func.func @transform_0(%arg0: i32) -> (i32, i32) {
    %c0_i32 = arith.constant 0 : i32
    %c0_i32_0 = arith.constant 0 : i32
    return %arg0, %c0_i32 : i32, i32
  }
  func.func @transform_1(%arg0: i32) -> (i32, i32) {
    %c0_i32 = arith.constant 0 : i32
    %c0_i32_0 = arith.constant 0 : i32
    %c0_i32_1 = arith.constant 0 : i32
    return %c0_i32, %c0_i32_0 : i32, i32
  }
  func.func @transform_2(%arg0: i32) -> (i32, i32) {
    %c0_i32 = arith.constant 0 : i32
    %c0_i32_0 = arith.constant 0 : i32
    %c0_i32_1 = arith.constant 0 : i32
    return %c0_i32, %c0_i32_0 : i32, i32
  }
}

module attributes {stable_mosaic.version = 14 : i64} {
  func.func @_out_body(%arg0: i32, %arg1: i32, %arg2: memref<2048x128xbf16, #tpu.memory_space<vmem>>, %arg3: memref<1024x128xbf16, #tpu.memory_space<vmem>>, %arg4: memref<1x2048xf32, #tpu.memory_space<vmem>>, %arg5: memref<1x1024xf32, #tpu.memory_space<vmem>>, %arg6: memref<2048x1024xf32, #tpu.memory_space<vmem>>) attributes {dimension_semantics = [#tpu.dimension_semantics<arbitrary>, #tpu.dimension_semantics<arbitrary>], iteration_bounds = array<i64: 49, 4>, scalar_prefetch = 0 : i64, scratch_operands = 0 : i64, tpu.core_type = #tpu.core_type<tc>, window_params = [{transform_indices = @transform_0, window_bounds = array<i64: 2048, 128>}, {transform_indices = @transform_1, window_bounds = array<i64: 1024, 128>}, {transform_indices = @transform_2, window_bounds = array<i64: 1, 2048>}, {transform_indices = @transform_3, window_bounds = array<i64: 1, 1024>}, {transform_indices = @transform_4, window_bounds = array<i64: 2048, 1024>}]} {
    %get3A = arith.constant 0 : index
    %get3A_0 = arith.constant 0 : index
    %get3A_1 = vector.load %arg2[%get3A, %get3A_0] : memref<2048x128xbf16, #tpu.memory_space<vmem>>, vector<2048x128xbf16>
    %get3A_2 = arith.constant 0 : index
    %get3A_3 = arith.constant 0 : index
    %get3A_4 = vector.load %arg3[%get3A_2, %get3A_3] : memref<1024x128xbf16, #tpu.memory_space<vmem>>, vector<1024x128xbf16>
    %dot_general3A = arith.constant dense<0.000000e+00> : vector<2048x1024xf32>
    %dot_general3A_5 = tpu.matmul %get3A_1, %get3A_4, %dot_general3A {dimension_numbers = #tpu.dot_dimension_numbers<[1], [1], [0], [0], [0, 0, 1, 0], [], []>, transpose_lhs_hint = false} : vector<2048x128xbf16>, vector<1024x128xbf16>, vector<2048x1024xf32> -> vector<2048x1024xf32>
    %get3A_6 = arith.constant 0 : index
    %get3A_7 = arith.constant 0 : index
    %get3A_8 = vector.load %arg4[%get3A_6, %get3A_7] : memref<1x2048xf32, #tpu.memory_space<vmem>>, vector<1x2048xf32>
    %transpose3A = tpu.transpose %get3A_8, [1, 0] : vector<1x2048xf32> -> vector<2048x1xf32>
    %get3A_9 = arith.constant 0 : index
    %get3A_10 = arith.constant 0 : index
    %get3A_11 = vector.load %arg5[%get3A_9, %get3A_10] : memref<1x1024xf32, #tpu.memory_space<vmem>>, vector<1x1024xf32>
    %sub3A = vector.broadcast %transpose3A : vector<2048x1xf32> to vector<2048x1024xf32>
    %sub3A_12 = vector.broadcast %get3A_11 : vector<1x1024xf32> to vector<2048x1024xf32>
    %sub3A_13 = arith.subf %sub3A, %sub3A_12 : vector<2048x1024xf32>
    %add3A = arith.addf %dot_general3A_5, %sub3A_13 : vector<2048x1024xf32>
    %swap3A = arith.constant 0 : index
    %swap3A_14 = arith.constant 0 : index
    %swap3A_15 = vector.load %arg6[%swap3A, %swap3A_14] : memref<2048x1024xf32, #tpu.memory_space<vmem>>, vector<2048x1024xf32>
    tpu.vector_store %arg6[%swap3A, %swap3A_14], %add3A {strides = array<i32>} : memref<2048x1024xf32, #tpu.memory_space<vmem>>, vector<2048x1024xf32>,
    return
  }
  func.func @transform_0(%arg0: i32, %arg1: i32) -> (i32, i32) {
    %c0_i32 = arith.constant 0 : i32
    %c0_i32_0 = arith.constant 0 : i32
    return %arg0, %c0_i32 : i32, i32
  }
  func.func @transform_1(%arg0: i32, %arg1: i32) -> (i32, i32) {
    %c0_i32 = arith.constant 0 : i32
    %c0_i32_0 = arith.constant 0 : i32
    return %arg1, %c0_i32 : i32, i32
  }
  func.func @transform_2(%arg0: i32, %arg1: i32) -> (i32, i32) {
    %c0_i32 = arith.constant 0 : i32
    %c0_i32_0 = arith.constant 0 : i32
    return %c0_i32, %arg0 : i32, i32
  }
  func.func @transform_3(%arg0: i32, %arg1: i32) -> (i32, i32) {
    %c0_i32 = arith.constant 0 : i32
    %c0_i32_0 = arith.constant 0 : i32
    return %c0_i32, %arg1 : i32, i32
  }
  func.func @transform_4(%arg0: i32, %arg1: i32) -> (i32, i32) {
    %c0_i32 = arith.constant 0 : i32
    return %arg0, %arg1 : i32, i32
  }
}

</mosaic_0001>

<sc_bundles>
// kernel: kernel.5.cloned.1.call-start
scs
__scs_entry_jumppad:
0x0: {  	(pc) =	sbr.rel $0x88, $3  }
0x1: {  	(tag) =	ssettag $0x0;
	lr =	simm.s32 $0x1  }
0x2: {  	[smem:$0x3F9D] =	sst lr;
	_ =	strace $0xD0000000  }
0x3: {  	_ = 	snop  }
0x4: {  	_ = 	snop  }
0x5: {  	_ = 	snop  }
0x6: {  	_ = 	snop  }
0x7: {  	_ = 	snop  }
__scs_overlays_trampoline_lowered:
0x8: {  	[smem:$0x3FAC] =	sst s0  }
0x9: {  	[smem:$0x3FAD] =	sst s1  }
0xa: {  	[smem:$0x3FAE] =	sst s2  }
0xb: {  	[smem:$0x3FAF] =	sst s3  }
0xc: {  	[smem:$0x3FB0] =	sst s4  }
0xd: {  	[smem:$0x3FB1] =	sst s5  }
0xe: {  	[smem:$0x3FB2] =	sst s6  }
0xf: {  	[smem:$0x3FB3] =	sst s7  }
0x10: {  	[smem:$0x3FB4] =	sst s8  }
0x11: {  	[smem:$0x3FB5] =	sst s9;
	s0 =	simm.s32 @!p0 $0x0  }
0x12: {  	s1 =	sld [smem:$0x3F9B];
	s0 =	simm.s32 @p0 $0x1  }
0x13: {  	[smem:$0x3FB6] =	sst s0;
	s0 =	simm.s32 @!p1 $0x0  }
0x14: {  	s2 =	sld [smem:$0x3F9A];
	s0 =	simm.s32 @p1 $0x1  }
0x15: {  	[smem:$0x3FB7] =	sst s0;
	s0 =	simm.s32 @!p2 $0x0  }
0x16: {  	s3 =	sld [smem:$0x3FDB];
	s0 =	simm.s32 @p2 $0x1  }
0x17: {  	s4 =	simm.s32 $0x1BF5;
	[smem:$0x3FB9] =	sst s0  }
0x18: {  	s0 =	sld [smem:$0x3F9C];
	_ =	swait.ge [sflag:s4], $0x0  }
0x19: {  	s7 =	sld [smem:$0x3F9D]  }
0x1a: {  	s8 =	sadd.s32 $0xFFFFE003, lr  }
0x1b: {  	s9 =	sadd.s32 $0xFFFFFEF7, lr;
	s5 =	simm.s32 $0xFFFFFFFF;
	p2 =	slt.u32 s8, $0xFFFFF086  }
0x1c: {  	p1 =	slt.u32 s9, $0xF7A;
	s5 =	simm.s32 @!p2 $0x0  }
0x1d: {  	s5 =	simm.s32 @p1 $0x1;
	p0 =	seq.s32 s7, s2  }
0x1e: {  	s7 =	smul.u32 @!p0 $0xF7A, s2;
	p2 =	seq.s32 @!p0 s5, $0x0  }
0x1f: {  	s9 =	smul.u32 $0xF7A, s1;
	s8 =	simm.s32 @!p0 $0x1BF5;
	p2 =	por !p2, p0  }
0x20: {  	[sflag:s8] =	ssyncset.s32 @!p0 $0xFFFFF086;
	s6 =	sadd.s32 @!p0 s3, s7;
	s7 =	simm.s32 @!p0 $0x108  }
0x21: {  	s3 =	sadd.s32 s3, s9;
	s6 =	sadd.s32 @!p0 $0x88, s6;
	s7 =	simm.s32 @p2 $0x1082  }
0x22: {  	[simem:s7], [sflag:s8] =	dma.local @!p0 [hbm:s6], $0xF7A  }
0x23: {  	s9 =	sor.u32 $0xD0000000, s2;
	s6 =	simm.s32 $0x108;
	_ =	swait.ge @!p0 [sflag:s8], $0x0  }
0x24: {  	s3 =	sadd.s32 $0x88, s3;
	s6 =	simm.s32 @!p1 $0x1082;
	[sflag:s4] =	ssyncset.s32 $0xFFFFF086  }
0x25: {  	[simem:s6], [sflag:s4] =	dma.local [hbm:s3], $0xF7A  }
0x26: {  	[smem:$0x3F9D] =	sst s1;
	(tag) =	ssettag s2;
	_ =	strace s9  }
0x27: {  	s1 =	sld [smem:$0x3FAD]  }
0x28: {  	s2 =	sld [smem:$0x3FAE]  }
0x29: {  	s4 =	sld [smem:$0x3FB0]  }
0x2a: {  	p0 =	seq.s32 s5, $0x0;
	s5 =	sld [smem:$0x3FB1]  }
0x2b: {  	s6 =	sld [smem:$0x3FB2]  }
0x2c: {  	s7 =	sld [smem:$0x3FB3]  }
0x2d: {  	s3 =	simm.s32 $0x108;
	s8 =	sld [smem:$0x3FB4]  }
0x2e: {  	s3 =	simm.s32 @!p0 $0x1082;
	s9 =	sld [smem:$0x3FB5]  }
0x2f: {  	lr =	sadd.s32 s0, s3;
	s0 =	sld [smem:$0x3FAC]  }
0x30: {  	s3 =	sld [smem:$0x3FAF]  }
0x31: {  	[smem:$0x3FB8] =	sst s10  }
0x32: {  	s10 =	sld [smem:$0x3FB6];
	_ =	sdelay $0x3  }
0x33: {  	p0 =	seq.s32 s10, $0x1;
	s10 =	sld [smem:$0x3FB8];
	_ =	sdelay $0x3  }
0x34: {  	[smem:$0x3FB8] =	sst s10  }
0x35: {  	s10 =	sld [smem:$0x3FB7];
	_ =	sdelay $0x3  }
0x36: {  	p1 =	seq.s32 s10, $0x1;
	s10 =	sld [smem:$0x3FB8];
	_ =	sdelay $0x3  }
0x37: {  	[smem:$0x3FB8] =	sst s10  }
0x38: {  	s10 =	sld [smem:$0x3FB9]  }
0x39: {  	_ = 	snop;
	(pc) =	sbr.ind lr, $3  }
0x3a: {  	_ = 	snop  }
0x3b: {  	_ = 	snop  }
0x3c: {  	p2 =	seq.s32 s10, $0x1;
	s10 =	sld [smem:$0x3FB8]  }
0x3d: {  	_ =	shalt  }
0x3e: {  	_ =	shalt  }
0x3f: {  	_ =	shalt  }
0x40: {  	_ =	shalt  }
0x41: {  	_ =	shalt  }
0x42: {  	_ =	shalt  }
0x43: {  	_ =	shalt  }
0x44: {  	_ =	shalt  }
0x45: {  	_ =	shalt  }
0x46: {  	_ =	shalt  }
0x47: {  	_ =	shalt  }
0x48: {  	_ =	shalt  }
0x49: {  	_ =	shalt  }
0x4a: {  	_ =	shalt  }
0x4b: {  	_ =	shalt  }
0x4c: {  	_ =	shalt  }
0x4d: {  	_ =	shalt  }
0x4e: {  	_ =	shalt  }
0x4f: {  	_ =	shalt  }
0x50: {  	_ =	shalt  }
0x51: {  	_ =	shalt  }
0x52: {  	_ =	shalt  }
0x53: {  	_ =	shalt  }
0x54: {  	_ =	shalt  }
0x55: {  	_ =	shalt  }
0x56: {  	_ =	shalt  }
0x57: {  	_ =	shalt  }
0x58: {  	_ =	shalt  }
0x59: {  	_ =	shalt  }
0x5a: {  	_ =	shalt  }
0x5b: {  	_ =	shalt  }
0x5c: {  	_ =	shalt  }
0x5d: {  	_ =	shalt  }
0x5e: {  	_ =	shalt  }
0x5f: {  	_ =	shalt  }
0x60: {  	_ =	shalt  }
0x61: {  	_ =	shalt  }
0x62: {  	_ =	shalt  }
0x63: {  	_ =	shalt  }
0x64: {  	_ =	shalt  }
0x65: {  	_ =	shalt  }
0x66: {  	_ =	shalt  }
0x67: {  	_ =	shalt  }
0x68: {  	_ =	shalt  }
0x69: {  	_ =	shalt  }
0x6a: {  	_ =	shalt  }
0x6b: {  	_ =	shalt  }
0x6c: {  	_ =	shalt  }
0x6d: {  	_ =	shalt  }
0x6e: {  	_ =	shalt  }
0x6f: {  	_ =	shalt  }
0x70: {  	_ =	shalt  }
0x71: {  	_ =	shalt  }
0x72: {  	_ =	shalt  }
0x73: {  	_ =	shalt  }
0x74: {  	_ =	shalt  }
0x75: {  	_ =	shalt  }
0x76: {  	_ =	shalt  }
0x77: {  	_ =	shalt  }
0x78: {  	_ =	shalt  }
0x79: {  	_ =	shalt  }
0x7a: {  	_ =	shalt  }
0x7b: {  	_ =	shalt  }
0x7c: {  	_ =	shalt  }
0x7d: {  	_ =	shalt  }
0x7e: {  	_ =	shalt  }
0x7f: {  	_ =	shalt  }
0x80: {  	_ =	shalt  }
0x81: {  	_ =	shalt  }
0x82: {  	_ =	shalt  }
0x83: {  	_ =	shalt  }
0x84: {  	_ =	shalt  }
0x85: {  	_ =	shalt  }
0x86: {  	_ =	shalt  }
0x87: {  	_ =	shalt  }
.Lfunc_end0:
.L_simem_size_0:
called_computation_lowered:
.L_overlay_start_0:
0x88: {  	s2 =	sld [smem:$0x3FD9]  }
0x89: {  	s3 =	sld [smem:$0x3FFE];
	_ =	sdelay $0x1  }
0x8a: {  	s1 =	srdreg.scid  }
0x8b: {  	s0 =	sand.u32 $0x1, s1  }
0x8c: {  	s18 =	sshll.u32 s0, $0xA;
	s2 =	sadd.s32 s3, s2  }
0x8d: {  	s2 =	sadd.s32 s2, s18  }
0x8e: {  	[smem:$0x3FC4] =	sst s2  }
0x8f: {  	_ = 	snop  }
0x90: {  	s2 =	sld [smem:$0x3FC9]  }
0x91: {  	s19 =	sld [smem:$0x3FC8]  }
0x92: {  	s4 =	sld [smem:$0x3FD0];
	(tm) =	ssettm $0x1  }
0x93: {  	s5 =	sld [smem:$0x3FFB];
	_ =	sdelay $0x3  }
0x94: {  	_ =	strace s5  }
0x95: {  	s5 =	sld [smem:$0x3FFC];
	_ =	sdelay $0x3  }
0x96: {  	_ =	strace s5  }
0x97: {  	s5 =	sld [smem:$0x3FFD];
	_ =	sdelay $0x3  }
0x98: {  	_ =	strace s5  }
0x99: {  	_ =	strace $0x8FFFFFFF  }
0x9a: {  	s20 =	sld [smem:$0x3FDB];
	_ =	sdelay $0x1  }
0x9b: {  	s6 =	simm.s32 $_scs_section_size  }
0x9c: {  	s7 =	simm.s32 $_size__tile_overlayer_lowered;
	s8 =	simm.s32 $_tile_overlayer_lowered  }
0x9d: {  	s23 =	simm.s32 $0x1BFF;
	s22 =	sshll.u32 s8, $0x1;
	s5 =	sadd.s32 s6, s20  }
0x9e: {  	s9 =	simm.s32 $0x0;
	s21 =	sshll.u32 s7, $0x1;
	s7 =	sadd.s32 s22, s5  }
0x9f: {  	[timem:s9], [sflag:s23] =	dma.local [hbm:s7], s21  }
0xa0: {  	_ =	swait.ge [sflag:s23], s21  }
0xa1: {  	s6 =	ssub.s32 $0x0, s21;
	[sflag:s23] =	ssyncset.done $0x0  }
0xa2: {  	[sflag:s23] =	ssyncadd.s32 s6;
	_ =	sdelay $0x1  }
0xa3: {  	s24 =	simm.s32 $0x1B8B  }
0xa4: {  	_ =	swait.ge [sflag:s24], $0x1  }
0xa5: {  	[sflag:s24] =	ssyncset.done $0x0  }
0xa6: {  	s25 =	simm.s32 $0x1B8E;
	[sflag:s24] =	ssyncadd.s32 $0xFFFFFFFF  }
0xa7: {  	s26 =	simm.s32 $execute0_lowered;
	[smem:$0x3FD2] =	sst s25  }
0xa8: {  	s6 =	sshll.u32 s26, $0x1;
	_ =	strace $0x80000046;
	[dreg:$0x1] =	wrdreg $0xFFFFFFFF  }
0xa9: {  	s28 =	simm.s32 $_size_execute0_lowered;
	s5 =	sadd.s32 s5, s6;
	[dreg:$0x0] =	wrdreg $0x0  }
0xaa: {  	s6 =	sshll.u32 s28, $0x1;
	[dreg:$0x2] =	wrdreg s5  }
0xab: {  	[dreg:$0x3] =	wrdreg s6  }
0xac: {  	[dreg:$0x4] =	wrdreg $0xC0  }
0xad: {  	_ =	task [dreg:s9], $0x5FFFF  }
0xae: {  	[dreg:$0x1] =	wrdreg $0xFFFFFFFF  }
0xaf: {  	[dreg:$0x0] =	wrdreg $0x60  }
0xb0: {  	[dreg:$0x2] =	wrdreg s19  }
0xb1: {  	[dreg:$0x3] =	wrdreg s2  }
0xb2: {  	[dreg:$0x4] =	wrdreg s4  }
0xb3: {  	[dreg:$0x5] =	wrdreg $0x9  }
0xb4: {  	_ =	task.clear_ibuf [dreg:s9], $0x6FFFF;
	_ =	strace $0x90000046  }
0xb5: {  	s29 =	simm.s32 $0x9;
	_ =	strace $0x80000048  }
0xb6: {  	_ =	swait.ge [sflag:s29], $0x1  }
0xb7: {  	[sflag:s29] =	ssyncadd.s32 $0xFFFFFFFF  }
0xb8: {  	_ =	strace $0x90000048  }
0xb9: {  	_ =	sfence  }
0xba: {  	s30 =	sld [smem:$0x0];
	_ =	sdelay $0x2  }
0xbb: {  	s31 =	sshll.u32 s1, $0xD;
	s1 =	sshrl.u32 s1, $0x2  }
0xbc: {  	s3 =	sand.u32 $0x4000, s31;
	s1 =	sadd.s32 s1, s30  }
0xbd: {  	s0 =	sor.u32 s3, s0;
	s1 =	sshll.u32 s1, $0x11  }
0xbe: {  	s0 =	sor.u32 s1, s0  }
0xbf: {  	s0 =	sadd.s32 $0x8F2B, s0  }
0xc0: {  	[sflag:s0] =	ssyncadd.remote.s32 $0x1  }
0xc1: {  	_ =	sfence.sel $0xFFFF  }
0xc2: {  	[dreg:$0x0] =	wrdreg $0xFFFFFFFF;
	(pc) =	sbr.abs _section_cstart, $3  }
0xc3: {  	[dreg:$0x1] =	wrdreg $0xFFFFFFFF  }
0xc4: {  	_ =	task.clear_ibuf [dreg:s9], $0x2FFFF;
	_ =	strace $0x9FFFFFFF  }
0xc5: {  	(tm) =	ssettm $0x7FFFFFFF  }
tec
execute0_lowered:
.L_overlay_start_1:
0x0: {  	(tag) =	ssettag $0x1  }
0x1: {  	s1 =	rddreg [dreg:$0x0]  }
0x2: {  	s2 =	srdreg.scid;
	s4 =	rddreg [dreg:$0x1]  }
0x3: {  	s0 =	stileid.u32;
	s8 =	rddreg [dreg:$0x2];
	s6 =	sand.u32 $0x1, s2  }
0x4: {  	s3 =	simm.s32 $0x0;
	s5 =	sshll.u32 s0, $0x8;
	s7 =	sshll.u32 s6, $0x7  }
0x5: {  	[smem:$0x7FF] =	sst s3;
	s9 =	sor.u32 s7, s5  }
0x6: {  	s2 =	rddreg [dreg:$0x3];
	_ =	strace $0x80000047;
	s5 =	sshrl.u32 s9, $0x3  }
0x7: {  	s10 =	ssub.s32 $0x2, s6;
	s5 =	sadd.s32 s4, s5;
	s4 =	simm.s32 $0x2  }
0x8: {  	[tilespmem:s3], [sflag:$0x2] =	stream.linear.gather [hbm4b:s5+s3], $0x80, $0x38;
	[tilespmem:$0x4080] =	vst v63  }
0x9: {  	s11 =	sshrl.u32 s10, $0x1;
	_ =	swait.ge [sflag:s4], $0x80  }
0xa: {  	s6 =	simm.s32 $0x80;
	s10 =	ssub.s32 s10, s11;
	[sflag:s4] =	ssyncset.done $0x0  }
0xb: {  	s7 =	simm.s32 $0x1;
	s31 =	smax.u32 s10, $0x1;
	[sflag:s4] =	ssyncadd.s32 $0xFFFFFF80  }
0xc: {  	[tilespmem:s6], [sflag:$0x1] =	stream.indirect.gather [hbm4b:s1+s6], $0x80, s3, s6, $0xb8;
	[tilespmem:$0x4080] =	vst v63  }
0xd: {  	p0 =	sne.s32 s31, $0x1;
	_ =	swait.ge [sflag:s7], $0x4000  }
.Ltmp0:
0xe: {  	s9 =	sshll.u32 s9, $0x4;
	[sflag:s7] =	ssyncset.done $0x0;
	(pc) =	sbr.rel @!p0 .LBB2_2-.Ltmp0, $4  }
0xf: {  	s8 =	sadd.s32 s8, s9;
	[sflag:s7] =	ssyncadd.s32 $0xFFFFC000  }
0x10: {  	[hbm4b:s8+s3] =	stream.linear.scatter [tilespmem:s6], [sflag:$0x2], $0x4000, $0x38;
	[tilespmem:$0x4080] =	vst v63  }
0x11: {  	_ =	swait.ge [sflag:s4], $0x4000  }
0x12: {  	s9 =	sadd.s32 $0xFFFFFFFF, s31;
	[sflag:s4] =	ssyncset.done $0x0  }
.LBB2_1:
0x13: {  	p0 =	sne.s32 s9, $0x1;
	s9 =	sadd.s32 $0xFFFFFFFF, s9;
	[sflag:s4] =	ssyncadd.s32 $0xFFFFC000  }
0x14: {  	[tilespmem:s3], [sflag:$0x2] =	stream.linear.gather [hbm4b:s5+s3], $0x80, $0x38;
	[tilespmem:$0x4080] =	vst v63  }
0x15: {  	_ =	swait.ge [sflag:s4], $0x80  }
0x16: {  	[sflag:s4] =	ssyncset.done $0x0  }
0x17: {  	[sflag:s4] =	ssyncadd.s32 $0xFFFFFF80  }
0x18: {  	[tilespmem:s6], [sflag:$0x1] =	stream.indirect.gather [hbm4b:s1+s6], $0x80, s3, s6, $0xb8;
	[tilespmem:$0x4080] =	vst v63  }
0x19: {  	_ =	swait.ge [sflag:s7], $0x4000  }
.Ltmp1:
0x1a: {  	[sflag:s7] =	ssyncset.done $0x0;
	(pc) =	sbr.rel @p0 .LBB2_1-.Ltmp1, $4  }
0x1b: {  	[sflag:s7] =	ssyncadd.s32 $0xFFFFC000  }
0x1c: {  	[hbm4b:s8+s3] =	stream.linear.scatter [tilespmem:s6], [sflag:$0x2], $0x4000, $0x38;
	[tilespmem:$0x4080] =	vst v63  }
0x1d: {  	_ =	swait.ge [sflag:s4], $0x4000  }
0x1e: {  	[sflag:s4] =	ssyncset.done $0x0  }
.LBB2_2:
0x1f: {  	[sflag:s4] =	ssyncadd.s32 $0xFFFFC000  }
0x20: {  	_ =	sfence.sel $0x180000  }
0x21: {  	[bflag:$0x0] =	sbarrier.arrive $0xFFFF  }
0x22: {  	p0 =	sne.s32 s0, $0x0;
	_ =	strace $0x90000047  }
0x23: {  	s0 =	sadd.s32 @!p0 $0x100000, s2;
	[bflag:$0x2] =	sbarrier.arrive $0xFFFF  }
0x24: {  	[sflag:s0] =	ssyncadd.tile.s32 @!p0 $0x1;
	_ =	shalt  }
.Lfunc_end2:
_tile_overlayer_lowered:
.L_overlay_start_2:
0x25: {  	(tag) =	ssettag $0x2  }
0x26: {  	s0 =	rddreg [dreg:$0x0];
	s2 =	stileid.u32  }
0x27: {  	s1 =	rddreg [dreg:$0x1];
	p0 =	sne.s32 s2, $0x0  }
0x28: {  	s3 =	rddreg [dreg:$0x2];
	[bflag:$0x3] =	sbarrier.arrive $0xFFFF;
	s2 =	simm.s32 @!p0 $0x1C02  }
0x29: {  	[timem:s3], [sflag:s2] =	dma.local @!p0 [hbm:s0], s1  }
0x2a: {  	s0 =	simm.s32 @!p0 $0x2  }
0x2b: {  	_ =	swait.ge @!p0 [sflag:s0], s1  }
0x2c: {  	s1 =	ssub.s32 @!p0 $0x0, s1;
	[sflag:s0] =	ssyncset.done @!p0 $0x0  }
0x2d: {  	[sflag:s0] =	ssyncadd.s32 @!p0 s1  }
0x2e: {  	[bflag:$0x3] =	sbarrier.arrive $0xFFFF  }
0x2f: {  	_ =	shalt  }

</sc_bundles>
